<compile_context>
chip_gen: v7x
topology: tpu7x:2x2x1
jax: 0.10.2.dev20260603
libtpu: 0.0.44.dev20260713+nightly
codegen_flags: <defaults>
</compile_context>

<pallas_src>
import functools

import jax
import jax.numpy as jnp
from jax import lax
from jax.experimental import pallas as pl
from jax.experimental.pallas import tpu as pltpu
from jax.experimental.pallas import tpu_sc as plsc

_VOCAB = 200
_HID = 1024
_PHID = 512
_OUT_W = 49152
_N_ROWS = 6400
_CB = 2048
_N_CB = _OUT_W // _CB
_CW = 2048
_NC_CH = _OUT_W // _CW
_G = 8
_RING = 4
_LEAD = 2


def _h_body(emb_ref, w1_ref, b1_ref, h_ref):
    h = jnp.dot(emb_ref[...], w1_ref[...], preferred_element_type=jnp.float32)
    h_ref[...] = jnp.tanh(h + b1_ref[...])


def _proj_body(h_ref, w2_ref, b2_ref, out_ref):
    out_ref[...] = (
        jnp.dot(h_ref[...], w2_ref[...], preferred_element_type=jnp.float32)
        + b2_ref[...]
    )


def _compute_table(emb_table, W1, b1, W2, b2):
    h = pl.pallas_call(
        _h_body,
        out_shape=jax.ShapeDtypeStruct((_VOCAB, _PHID), jnp.float32),
    )(emb_table, W1, b1.reshape(1, _PHID))

    return pl.pallas_call(
        _proj_body,
        grid=(_N_CB,),
        in_specs=[
            pl.BlockSpec((_VOCAB, _PHID), lambda j: (0, 0)),
            pl.BlockSpec((_PHID, _CB), lambda j: (0, j)),
            pl.BlockSpec((1, _CB), lambda j: (0, j)),
        ],
        out_specs=pl.BlockSpec((_VOCAB, _CB), lambda j: (0, j)),
        out_shape=jax.ShapeDtypeStruct((_VOCAB, _OUT_W), jnp.float32),
    )(h, W2, b2.reshape(1, _OUT_W))


def _gather(table, idx_flat, B, P):
    info = plsc.get_sparse_core_info()
    nc, ns = info.num_cores, info.num_subcores
    nw = nc * ns
    rpw = _N_ROWS // nw
    ngr = rpw // _G
    idx3 = idx_flat.reshape(nw, ngr, _G)

    mesh = plsc.VectorSubcoreMesh(core_axis_name="c", subcore_axis_name="s")

    @functools.partial(
        pl.kernel,
        mesh=mesh,
        out_type=jax.ShapeDtypeStruct((B, P, _OUT_W), jnp.float32),
        scratch_types=[
            pltpu.VMEM((ngr, _G), jnp.int32),
            pltpu.VMEM((_RING, _G, _CW), jnp.float32),
            pltpu.SemaphoreType.DMA((_RING,)),
            pltpu.SemaphoreType.DMA((_RING,)),
        ],
    )
    def gather_k(tab_hbm, idx_hbm, out_hbm, idx_v, bufs, sg, sw):
        wid = lax.axis_index("s") * nc + lax.axis_index("c")
        pltpu.sync_copy(idx_hbm.at[wid], idx_v)
        row0 = wid * rpw
        nit = ngr * _NC_CH

        def slot(it):
            return lax.rem(it, _RING)

        def gath(it):
            k = lax.div(it, _NC_CH)
            c = lax.rem(it, _NC_CH)
            coff = pl.multiple_of(_CW * c, _CW)
            return pltpu.make_async_copy(
                tab_hbm.at[idx_v.at[k], pl.ds(coff, _CW)],
                bufs.at[slot(it)], sg.at[slot(it)])

        def scat(it):
            k = lax.div(it, _NC_CH)
            c = lax.rem(it, _NC_CH)
            coff = pl.multiple_of(_CW * c, _CW)
            grow = row0 + _G * k
            b = lax.div(grow, P)
            p = pl.multiple_of(lax.rem(grow, P), _G)
            return pltpu.make_async_copy(
                bufs.at[slot(it)],
                out_hbm.at[b, pl.ds(p, _G), pl.ds(coff, _CW)],
                sw.at[slot(it)])

        def prologue(i, carry):
            gath(i).start()
            return carry

        lax.fori_loop(0, _LEAD, prologue, 0)

        def body(it, carry):
            @pl.when(it >= _LEAD)
            def _():
                scat(it - _LEAD).wait()

            @pl.when(it + _LEAD < nit)
            def _():
                gath(it + _LEAD).start()

            gath(it).wait()
            scat(it).start()
            return carry

        lax.fori_loop(0, nit, body, 0)

        def drain(t, carry):
            scat(nit - _LEAD + t).wait()
            return carry

        lax.fori_loop(0, _LEAD, drain, 0)

    return gather_k(table, idx3)


def kernel(emb_table, W1, b1, W2, b2, prefix):
    B, P = prefix.shape
    table = _compute_table(emb_table, W1, b1, W2, b2)
    return _gather(table, prefix.astype(jnp.int32).reshape(-1), B, P)

# --- scband reference (transcript-rebuilt; emitter-appended) ---
"""Pipeline reference for scband-prefix-encoder-9818295239453 (READ-ONLY COPY).

The authoritative reference and input builder live on the scoring server;
editing this copy changes nothing except your own understanding.
"""

import jax, jax.numpy as jnp
import numpy as np

NUM_LAYERS = 24
PROMPT_LEN = 200
PREFIX_HIDDEN = 512
HIDDEN = 1024
BATCH = 32
PREFIX_LEN = 200


def setup_inputs(seed: int = 0) -> dict:
    key = jax.random.key(seed)
    k1, k2, k3, k4, k5, k6 = jax.random.split(key, 6)
    prefix = jax.random.randint(k1, (BATCH, PREFIX_LEN), 0, PROMPT_LEN, dtype=jnp.int64 if jax.config.jax_enable_x64 else jnp.int32)
    emb_table = jax.random.normal(k2, (PROMPT_LEN, HIDDEN), dtype=jnp.float32) * 0.02
    W1 = jax.random.normal(k3, (HIDDEN, PREFIX_HIDDEN), dtype=jnp.float32) * (1.0 / np.sqrt(HIDDEN))
    b1 = jnp.zeros((PREFIX_HIDDEN,), dtype=jnp.float32)
    W2 = jax.random.normal(k4, (PREFIX_HIDDEN, NUM_LAYERS * 2 * HIDDEN), dtype=jnp.float32) * (1.0 / np.sqrt(PREFIX_HIDDEN))
    b2 = jnp.zeros((NUM_LAYERS * 2 * HIDDEN,), dtype=jnp.float32)
    return {"emb_table": emb_table, "W1": W1, "b1": b1, "W2": W2, "b2": b2, "prefix": prefix}


def reference(emb_table, W1, b1, W2, b2, prefix):
    # prefix_projection=True path:
    # prefix_tokens = Embedding(prompt_len, hidden_size)(prefix)
    prefix_tokens = jnp.take(emb_table, prefix, axis=0)  # [B, P, H]
    # trans = Linear(H, prefix_hidden) -> Tanh -> Linear(prefix_hidden, 2*L*H)
    h = jnp.tanh(prefix_tokens @ W1 + b1)
    past_key_values = h @ W2 + b2  # [B, P, 2*L*H]
    return past_key_values

if __name__ == "__main__":
    import jax
    _d = setup_inputs()
    print(jax.jit(kernel)(*tuple(_d.values())))

</pallas_src>

<mosaic_0001>
#map = affine_map<(d0, d1) -> (0, 0)>
#map1 = affine_map<(d0, d1) -> (0, 0, 0)>
module attributes {stable_mosaic.version = 14 : i64} {
  func.func @gather_k(%arg0: i32, %arg1: i32, %arg2: memref<200x49152xf32, #tpu.memory_space<hbm>>, %arg3: memref<32x25x8xi32, #tpu.memory_space<hbm>>, %arg4: memref<32x200x49152xf32, #tpu.memory_space<hbm>>, %arg5: memref<25x8xi32, #tpu.memory_space<vmem>>, %arg6: memref<4x8x2048xf32, #tpu.memory_space<vmem>>, %arg7: memref<4x!tpu.dma_semaphore, #tpu.memory_space<semaphore_mem>>, %arg8: memref<4x!tpu.dma_semaphore, #tpu.memory_space<semaphore_mem>>) attributes {dimension_semantics = [#tpu.dimension_semantics<core_parallel>, #tpu.dimension_semantics<subcore_parallel>], iteration_bounds = array<i64: 2, 16>, scalar_prefetch = 0 : i64, scratch_operands = 4 : i64, tpu.core_type = #tpu.core_type<sc_vector_subcore>, window_params = [{transform_indices = #map}, {transform_indices = #map1}, {transform_indices = #map1}]} {
    %mul3A = arith.constant 2 : i32
    %mul3A_0 = arith.muli %arg1, %mul3A : i32
    %add3A = arith.addi %mul3A_0, %arg0 : i32
    "tpu.region"() ({
      %run_scoped3A = tpu.sem_alloc : memref<!tpu.dma_semaphore, #tpu.memory_space<semaphore_mem>>
      %dma_start3A = arith.constant 0 : i32
      %dma_start3A_20 = arith.constant 0 : i32
      %dma_start3A_21 = tpu.memref_slice %arg3[%add3A, %dma_start3A, %dma_start3A_20] : memref<32x25x8xi32, #tpu.memory_space<hbm>> -> memref<1x25x8xi32, #tpu.memory_space<hbm>>
      %dma_start3A_22 = tpu.memref_squeeze %dma_start3A_21 : memref<1x25x8xi32, #tpu.memory_space<hbm>> -> memref<25x8xi32, #tpu.memory_space<hbm>>
      %dma_start3A_23 = arith.constant 0 : i32
      %dma_start3A_24 = arith.constant 0 : i32
      %dma_start3A_25 = tpu.memref_slice %arg3[%add3A, %dma_start3A_23, %dma_start3A_24] : memref<32x25x8xi32, #tpu.memory_space<hbm>> -> memref<1x25x8xi32, #tpu.memory_space<hbm>>
      %dma_start3A_26 = tpu.memref_squeeze %dma_start3A_25 : memref<1x25x8xi32, #tpu.memory_space<hbm>> -> memref<25x8xi32, #tpu.memory_space<hbm>>
      tpu.enqueue_dma source(%dma_start3A_26 : memref<25x8xi32, #tpu.memory_space<hbm>>) target(%arg5 : memref<25x8xi32, #tpu.memory_space<vmem>>) target_semaphore(%run_scoped3A : memref<!tpu.dma_semaphore, #tpu.memory_space<semaphore_mem>>)
      %dma_wait3A = arith.constant 0 : i32
      %dma_wait3A_27 = arith.constant 0 : i32
      %dma_wait3A_28 = tpu.memref_slice %arg3[%add3A, %dma_wait3A, %dma_wait3A_27] : memref<32x25x8xi32, #tpu.memory_space<hbm>> -> memref<1x25x8xi32, #tpu.memory_space<hbm>>
      %dma_wait3A_29 = tpu.memref_squeeze %dma_wait3A_28 : memref<1x25x8xi32, #tpu.memory_space<hbm>> -> memref<25x8xi32, #tpu.memory_space<hbm>>
      %dma_wait3A_30 = arith.constant 0 : i32
      %dma_wait3A_31 = arith.constant 0 : i32
      %dma_wait3A_32 = tpu.memref_slice %arg3[%add3A, %dma_wait3A_30, %dma_wait3A_31] : memref<32x25x8xi32, #tpu.memory_space<hbm>> -> memref<1x25x8xi32, #tpu.memory_space<hbm>>
      %dma_wait3A_33 = tpu.memref_squeeze %dma_wait3A_32 : memref<1x25x8xi32, #tpu.memory_space<hbm>> -> memref<25x8xi32, #tpu.memory_space<hbm>>
      tpu.wait_dma2 semaphore(%run_scoped3A : memref<!tpu.dma_semaphore, #tpu.memory_space<semaphore_mem>>) src(%dma_wait3A_33 : memref<25x8xi32, #tpu.memory_space<hbm>>) dst(%arg5 : memref<25x8xi32, #tpu.memory_space<vmem>>)
      tpu.yield
    }) : () -> ()
    %mul3A_1 = arith.constant 200 : i32
    %mul3A_2 = arith.muli %add3A, %mul3A_1 : i32
    %scan3A = arith.constant 0 : i32
    %scan3A_3 = arith.constant 0 : i32
    %scan3A_4 = arith.constant 2 : i32
    %scan3A_5 = arith.addi %scan3A_3, %scan3A_4 : i32
    %scan3A_6 = arith.constant 1 : i32
    scf.for %scan3A_20 = %scan3A_3 to %scan3A_5 step %scan3A_6  : i32 {
      %div3A = arith.constant 24 : i32
      %div3A_21 = arith.divsi %scan3A_20, %div3A : i32
      %rem3A = arith.constant 24 : i32
      %rem3A_22 = arith.remsi %scan3A_20, %rem3A : i32
      %mul3A_23 = arith.constant 2048 : i32
      %mul3A_24 = arith.muli %mul3A_23, %rem3A_22 : i32
      %multiple_of3A = tpu.assume_multiple %mul3A_24, 2048 : i32
      %rem3A_25 = arith.constant 4 : i32
      %rem3A_26 = arith.remsi %scan3A_20, %rem3A_25 : i32
      %rem3A_27 = arith.constant 4 : i32
      %rem3A_28 = arith.remsi %scan3A_20, %rem3A_27 : i32
      %dma_start3A = arith.constant 0 : i32
      %dma_start3A_29 = arith.constant 0 : i32
      %dma_start3A_30 = tpu.memref_slice %arg6[%rem3A_26, %dma_start3A, %dma_start3A_29] : memref<4x8x2048xf32, #tpu.memory_space<vmem>> -> memref<1x8x2048xf32, #tpu.memory_space<vmem>>
      %dma_start3A_31 = tpu.memref_squeeze %dma_start3A_30 : memref<1x8x2048xf32, #tpu.memory_space<vmem>> -> memref<8x2048xf32, #tpu.memory_space<vmem>>
      %dma_start3A_32 = arith.constant 0 : i32
      %dma_start3A_33 = tpu.memref_slice %arg5[%div3A_21, %dma_start3A_32] : memref<25x8xi32, #tpu.memory_space<vmem>> -> memref<1x8xi32, #tpu.memory_space<vmem>>
      %dma_start3A_34 = tpu.memref_squeeze %dma_start3A_33 : memref<1x8xi32, #tpu.memory_space<vmem>> -> memref<8xi32, #tpu.memory_space<vmem>>
      %dma_start3A_35 = arith.constant 0 : i32
      %dma_start3A_36 = tpu.memref_slice %arg2[%dma_start3A_35, %multiple_of3A] : memref<200x49152xf32, #tpu.memory_space<hbm>> -> memref<200x2048xf32, #tpu.memory_space<hbm>>
      %dma_start3A_37 = tpu.memref_slice %arg7[%rem3A_28] : memref<4x!tpu.dma_semaphore, #tpu.memory_space<semaphore_mem>> -> memref<1x!tpu.dma_semaphore, #tpu.memory_space<semaphore_mem>>
      %dma_start3A_38 = tpu.memref_squeeze %dma_start3A_37 : memref<1x!tpu.dma_semaphore, #tpu.memory_space<semaphore_mem>> -> memref<!tpu.dma_semaphore, #tpu.memory_space<semaphore_mem>>
      tpu.enqueue_indirect_dma source(%dma_start3A_36 : memref<200x2048xf32, #tpu.memory_space<hbm>>) target(%dma_start3A_31 : memref<8x2048xf32, #tpu.memory_space<vmem>>) offsets(%dma_start3A_34 : memref<8xi32, #tpu.memory_space<vmem>>) semaphore(%dma_start3A_38 : memref<!tpu.dma_semaphore, #tpu.memory_space<semaphore_mem>>)
    }
    %scan3A_7 = arith.constant 2 : i32
    %scan3A_8 = arith.constant 0 : i32
    %scan3A_9 = arith.constant 0 : i32
    %scan3A_10 = arith.constant 600 : i32
    %scan3A_11 = arith.addi %scan3A_9, %scan3A_10 : i32
    %scan3A_12 = arith.constant 1 : i32
    scf.for %scan3A_20 = %scan3A_9 to %scan3A_11 step %scan3A_12  : i32 {
      %ge3A = arith.constant 2 : i32
      %ge3A_21 = arith.cmpi sge, %scan3A_20, %ge3A : i32
      %convert_element_type3A = arith.extui %ge3A_21 : i1 to i32
      %cond3A = arith.constant 0 : i32
      %cond3A_22 = arith.cmpi ne, %convert_element_type3A, %cond3A : i32
      scf.if %cond3A_22 {
        %sub3A = arith.constant 2 : i32
        %sub3A_79 = arith.subi %scan3A_20, %sub3A : i32
        %div3A_80 = arith.constant 24 : i32
        %div3A_81 = arith.divsi %sub3A_79, %div3A_80 : i32
        %rem3A_82 = arith.constant 24 : i32
        %rem3A_83 = arith.remsi %sub3A_79, %rem3A_82 : i32
        %mul3A_84 = arith.constant 2048 : i32
        %mul3A_85 = arith.muli %mul3A_84, %rem3A_83 : i32
        %multiple_of3A_86 = tpu.assume_multiple %mul3A_85, 2048 : i32
        %mul3A_87 = arith.constant 8 : i32
        %mul3A_88 = arith.muli %mul3A_87, %div3A_81 : i32
        %add3A_89 = arith.addi %mul3A_2, %mul3A_88 : i32
        %div3A_90 = arith.constant 200 : i32
        %div3A_91 = arith.divsi %add3A_89, %div3A_90 : i32
        %rem3A_92 = arith.constant 200 : i32
        %rem3A_93 = arith.remsi %add3A_89, %rem3A_92 : i32
        %multiple_of3A_94 = tpu.assume_multiple %rem3A_93, 8 : i32
        %rem3A_95 = arith.constant 4 : i32
        %rem3A_96 = arith.remsi %sub3A_79, %rem3A_95 : i32
        %rem3A_97 = arith.constant 4 : i32
        %rem3A_98 = arith.remsi %sub3A_79, %rem3A_97 : i32
        %dma_wait3A_99 = arith.constant 0 : i32
        %dma_wait3A_100 = arith.constant 0 : i32
        %dma_wait3A_101 = tpu.memref_slice %arg6[%rem3A_96, %dma_wait3A_99, %dma_wait3A_100] : memref<4x8x2048xf32, #tpu.memory_space<vmem>> -> memref<1x8x2048xf32, #tpu.memory_space<vmem>>
        %dma_wait3A_102 = tpu.memref_squeeze %dma_wait3A_101 : memref<1x8x2048xf32, #tpu.memory_space<vmem>> -> memref<8x2048xf32, #tpu.memory_space<vmem>>
        %dma_wait3A_103 = tpu.memref_slice %arg4[%div3A_91, %multiple_of3A_94, %multiple_of3A_86] : memref<32x200x49152xf32, #tpu.memory_space<hbm>> -> memref<1x8x2048xf32, #tpu.memory_space<hbm>>
        %dma_wait3A_104 = tpu.memref_squeeze %dma_wait3A_103 : memref<1x8x2048xf32, #tpu.memory_space<hbm>> -> memref<8x2048xf32, #tpu.memory_space<hbm>>
        %dma_wait3A_105 = tpu.memref_slice %arg8[%rem3A_98] : memref<4x!tpu.dma_semaphore, #tpu.memory_space<semaphore_mem>> -> memref<1x!tpu.dma_semaphore, #tpu.memory_space<semaphore_mem>>
        %dma_wait3A_106 = tpu.memref_squeeze %dma_wait3A_105 : memref<1x!tpu.dma_semaphore, #tpu.memory_space<semaphore_mem>> -> memref<!tpu.dma_semaphore, #tpu.memory_space<semaphore_mem>>
        %dma_wait3A_107 = tpu.memref_slice %arg4[%div3A_91, %multiple_of3A_94, %multiple_of3A_86] : memref<32x200x49152xf32, #tpu.memory_space<hbm>> -> memref<1x8x2048xf32, #tpu.memory_space<hbm>>
        %dma_wait3A_108 = tpu.memref_squeeze %dma_wait3A_107 : memref<1x8x2048xf32, #tpu.memory_space<hbm>> -> memref<8x2048xf32, #tpu.memory_space<hbm>>
        %dma_wait3A_109 = arith.constant 0 : i32
        %dma_wait3A_110 = arith.constant 0 : i32
        %dma_wait3A_111 = tpu.memref_slice %arg6[%rem3A_96, %dma_wait3A_109, %dma_wait3A_110] : memref<4x8x2048xf32, #tpu.memory_space<vmem>> -> memref<1x8x2048xf32, #tpu.memory_space<vmem>>
        %dma_wait3A_112 = tpu.memref_squeeze %dma_wait3A_111 : memref<1x8x2048xf32, #tpu.memory_space<vmem>> -> memref<8x2048xf32, #tpu.memory_space<vmem>>
        tpu.wait_dma2 semaphore(%dma_wait3A_106 : memref<!tpu.dma_semaphore, #tpu.memory_space<semaphore_mem>>) src(%dma_wait3A_112 : memref<8x2048xf32, #tpu.memory_space<vmem>>) dst(%dma_wait3A_108 : memref<8x2048xf32, #tpu.memory_space<hbm>>)
      } else {
      }
      %add3A_23 = arith.constant 2 : i32
      %add3A_24 = arith.addi %scan3A_20, %add3A_23 : i32
      %lt3A = arith.constant 600 : i32
      %lt3A_25 = arith.cmpi slt, %add3A_24, %lt3A : i32
      %convert_element_type3A_26 = arith.extui %lt3A_25 : i1 to i32
      %cond3A_27 = arith.constant 0 : i32
      %cond3A_28 = arith.cmpi ne, %convert_element_type3A_26, %cond3A_27 : i32
      scf.if %cond3A_28 {
        %add3A_79 = arith.constant 2 : i32
        %add3A_80 = arith.addi %scan3A_20, %add3A_79 : i32
        %div3A_81 = arith.constant 24 : i32
        %div3A_82 = arith.divsi %add3A_80, %div3A_81 : i32
        %rem3A_83 = arith.constant 24 : i32
        %rem3A_84 = arith.remsi %add3A_80, %rem3A_83 : i32
        %mul3A_85 = arith.constant 2048 : i32
        %mul3A_86 = arith.muli %mul3A_85, %rem3A_84 : i32
        %multiple_of3A_87 = tpu.assume_multiple %mul3A_86, 2048 : i32
        %rem3A_88 = arith.constant 4 : i32
        %rem3A_89 = arith.remsi %add3A_80, %rem3A_88 : i32
        %rem3A_90 = arith.constant 4 : i32
        %rem3A_91 = arith.remsi %add3A_80, %rem3A_90 : i32
        %dma_start3A_92 = arith.constant 0 : i32
        %dma_start3A_93 = arith.constant 0 : i32
        %dma_start3A_94 = tpu.memref_slice %arg6[%rem3A_89, %dma_start3A_92, %dma_start3A_93] : memref<4x8x2048xf32, #tpu.memory_space<vmem>> -> memref<1x8x2048xf32, #tpu.memory_space<vmem>>
        %dma_start3A_95 = tpu.memref_squeeze %dma_start3A_94 : memref<1x8x2048xf32, #tpu.memory_space<vmem>> -> memref<8x2048xf32, #tpu.memory_space<vmem>>
        %dma_start3A_96 = arith.constant 0 : i32
        %dma_start3A_97 = tpu.memref_slice %arg5[%div3A_82, %dma_start3A_96] : memref<25x8xi32, #tpu.memory_space<vmem>> -> memref<1x8xi32, #tpu.memory_space<vmem>>
        %dma_start3A_98 = tpu.memref_squeeze %dma_start3A_97 : memref<1x8xi32, #tpu.memory_space<vmem>> -> memref<8xi32, #tpu.memory_space<vmem>>
        %dma_start3A_99 = arith.constant 0 : i32
        %dma_start3A_100 = tpu.memref_slice %arg2[%dma_start3A_99, %multiple_of3A_87] : memref<200x49152xf32, #tpu.memory_space<hbm>> -> memref<200x2048xf32, #tpu.memory_space<hbm>>
        %dma_start3A_101 = tpu.memref_slice %arg7[%rem3A_91] : memref<4x!tpu.dma_semaphore, #tpu.memory_space<semaphore_mem>> -> memref<1x!tpu.dma_semaphore, #tpu.memory_space<semaphore_mem>>
        %dma_start3A_102 = tpu.memref_squeeze %dma_start3A_101 : memref<1x!tpu.dma_semaphore, #tpu.memory_space<semaphore_mem>> -> memref<!tpu.dma_semaphore, #tpu.memory_space<semaphore_mem>>
        tpu.enqueue_indirect_dma source(%dma_start3A_100 : memref<200x2048xf32, #tpu.memory_space<hbm>>) target(%dma_start3A_95 : memref<8x2048xf32, #tpu.memory_space<vmem>>) offsets(%dma_start3A_98 : memref<8xi32, #tpu.memory_space<vmem>>) semaphore(%dma_start3A_102 : memref<!tpu.dma_semaphore, #tpu.memory_space<semaphore_mem>>)
      } else {
      }
      %div3A = arith.constant 24 : i32
      %div3A_29 = arith.divsi %scan3A_20, %div3A : i32
      %rem3A = arith.constant 24 : i32
      %rem3A_30 = arith.remsi %scan3A_20, %rem3A : i32
      %mul3A_31 = arith.constant 2048 : i32
      %mul3A_32 = arith.muli %mul3A_31, %rem3A_30 : i32
      %multiple_of3A = tpu.assume_multiple %mul3A_32, 2048 : i32
      %rem3A_33 = arith.constant 4 : i32
      %rem3A_34 = arith.remsi %scan3A_20, %rem3A_33 : i32
      %rem3A_35 = arith.constant 4 : i32
      %rem3A_36 = arith.remsi %scan3A_20, %rem3A_35 : i32
      %dma_wait3A = arith.constant 0 : i32
      %dma_wait3A_37 = arith.constant 0 : i32
      %dma_wait3A_38 = tpu.memref_slice %arg6[%rem3A_34, %dma_wait3A, %dma_wait3A_37] : memref<4x8x2048xf32, #tpu.memory_space<vmem>> -> memref<1x8x2048xf32, #tpu.memory_space<vmem>>
      %dma_wait3A_39 = tpu.memref_squeeze %dma_wait3A_38 : memref<1x8x2048xf32, #tpu.memory_space<vmem>> -> memref<8x2048xf32, #tpu.memory_space<vmem>>
      %dma_wait3A_40 = arith.constant 0 : i32
      %dma_wait3A_41 = tpu.memref_slice %arg5[%div3A_29, %dma_wait3A_40] : memref<25x8xi32, #tpu.memory_space<vmem>> -> memref<1x8xi32, #tpu.memory_space<vmem>>
      %dma_wait3A_42 = tpu.memref_squeeze %dma_wait3A_41 : memref<1x8xi32, #tpu.memory_space<vmem>> -> memref<8xi32, #tpu.memory_space<vmem>>
      %dma_wait3A_43 = arith.constant 0 : i32
      %dma_wait3A_44 = tpu.memref_slice %arg2[%dma_wait3A_43, %multiple_of3A] : memref<200x49152xf32, #tpu.memory_space<hbm>> -> memref<200x2048xf32, #tpu.memory_space<hbm>>
      %dma_wait3A_45 = tpu.memref_slice %arg7[%rem3A_36] : memref<4x!tpu.dma_semaphore, #tpu.memory_space<semaphore_mem>> -> memref<1x!tpu.dma_semaphore, #tpu.memory_space<semaphore_mem>>
      %dma_wait3A_46 = tpu.memref_squeeze %dma_wait3A_45 : memref<1x!tpu.dma_semaphore, #tpu.memory_space<semaphore_mem>> -> memref<!tpu.dma_semaphore, #tpu.memory_space<semaphore_mem>>
      tpu.wait_indirect_dma semaphore(%dma_wait3A_46 : memref<!tpu.dma_semaphore, #tpu.memory_space<semaphore_mem>>) src(%dma_wait3A_44 : memref<200x2048xf32, #tpu.memory_space<hbm>>) dst(%dma_wait3A_39 : memref<8x2048xf32, #tpu.memory_space<vmem>>)
      %div3A_47 = arith.constant 24 : i32
      %div3A_48 = arith.divsi %scan3A_20, %div3A_47 : i32
      %rem3A_49 = arith.constant 24 : i32
      %rem3A_50 = arith.remsi %scan3A_20, %rem3A_49 : i32
      %mul3A_51 = arith.constant 2048 : i32
      %mul3A_52 = arith.muli %mul3A_51, %rem3A_50 : i32
      %multiple_of3A_53 = tpu.assume_multiple %mul3A_52, 2048 : i32
      %mul3A_54 = arith.constant 8 : i32
      %mul3A_55 = arith.muli %mul3A_54, %div3A_48 : i32
      %add3A_56 = arith.addi %mul3A_2, %mul3A_55 : i32
      %div3A_57 = arith.constant 200 : i32
      %div3A_58 = arith.divsi %add3A_56, %div3A_57 : i32
      %rem3A_59 = arith.constant 200 : i32
      %rem3A_60 = arith.remsi %add3A_56, %rem3A_59 : i32
      %multiple_of3A_61 = tpu.assume_multiple %rem3A_60, 8 : i32
      %rem3A_62 = arith.constant 4 : i32
      %rem3A_63 = arith.remsi %scan3A_20, %rem3A_62 : i32
      %rem3A_64 = arith.constant 4 : i32
      %rem3A_65 = arith.remsi %scan3A_20, %rem3A_64 : i32
      %dma_start3A = arith.constant 0 : i32
      %dma_start3A_66 = arith.constant 0 : i32
      %dma_start3A_67 = tpu.memref_slice %arg6[%rem3A_63, %dma_start3A, %dma_start3A_66] : memref<4x8x2048xf32, #tpu.memory_space<vmem>> -> memref<1x8x2048xf32, #tpu.memory_space<vmem>>
      %dma_start3A_68 = tpu.memref_squeeze %dma_start3A_67 : memref<1x8x2048xf32, #tpu.memory_space<vmem>> -> memref<8x2048xf32, #tpu.memory_space<vmem>>
      %dma_start3A_69 = tpu.memref_slice %arg4[%div3A_58, %multiple_of3A_61, %multiple_of3A_53] : memref<32x200x49152xf32, #tpu.memory_space<hbm>> -> memref<1x8x2048xf32, #tpu.memory_space<hbm>>
      %dma_start3A_70 = tpu.memref_squeeze %dma_start3A_69 : memref<1x8x2048xf32, #tpu.memory_space<hbm>> -> memref<8x2048xf32, #tpu.memory_space<hbm>>
      %dma_start3A_71 = tpu.memref_slice %arg8[%rem3A_65] : memref<4x!tpu.dma_semaphore, #tpu.memory_space<semaphore_mem>> -> memref<1x!tpu.dma_semaphore, #tpu.memory_space<semaphore_mem>>
      %dma_start3A_72 = tpu.memref_squeeze %dma_start3A_71 : memref<1x!tpu.dma_semaphore, #tpu.memory_space<semaphore_mem>> -> memref<!tpu.dma_semaphore, #tpu.memory_space<semaphore_mem>>
      %dma_start3A_73 = tpu.memref_slice %arg4[%div3A_58, %multiple_of3A_61, %multiple_of3A_53] : memref<32x200x49152xf32, #tpu.memory_space<hbm>> -> memref<1x8x2048xf32, #tpu.memory_space<hbm>>
      %dma_start3A_74 = tpu.memref_squeeze %dma_start3A_73 : memref<1x8x2048xf32, #tpu.memory_space<hbm>> -> memref<8x2048xf32, #tpu.memory_space<hbm>>
      %dma_start3A_75 = arith.constant 0 : i32
      %dma_start3A_76 = arith.constant 0 : i32
      %dma_start3A_77 = tpu.memref_slice %arg6[%rem3A_63, %dma_start3A_75, %dma_start3A_76] : memref<4x8x2048xf32, #tpu.memory_space<vmem>> -> memref<1x8x2048xf32, #tpu.memory_space<vmem>>
      %dma_start3A_78 = tpu.memref_squeeze %dma_start3A_77 : memref<1x8x2048xf32, #tpu.memory_space<vmem>> -> memref<8x2048xf32, #tpu.memory_space<vmem>>
      tpu.enqueue_dma source(%dma_start3A_78 : memref<8x2048xf32, #tpu.memory_space<vmem>>) target(%dma_start3A_74 : memref<8x2048xf32, #tpu.memory_space<hbm>>) target_semaphore(%dma_start3A_72 : memref<!tpu.dma_semaphore, #tpu.memory_space<semaphore_mem>>)
    }
    %scan3A_13 = arith.constant 600 : i32
    %scan3A_14 = arith.constant 0 : i32
    %scan3A_15 = arith.constant 0 : i32
    %scan3A_16 = arith.constant 2 : i32
    %scan3A_17 = arith.addi %scan3A_15, %scan3A_16 : i32
    %scan3A_18 = arith.constant 1 : i32
    scf.for %scan3A_20 = %scan3A_15 to %scan3A_17 step %scan3A_18  : i32 {
      %add3A_21 = arith.constant 598 : i32
      %add3A_22 = arith.addi %add3A_21, %scan3A_20 : i32
      %div3A = arith.constant 24 : i32
      %div3A_23 = arith.divsi %add3A_22, %div3A : i32
      %rem3A = arith.constant 24 : i32
      %rem3A_24 = arith.remsi %add3A_22, %rem3A : i32
      %mul3A_25 = arith.constant 2048 : i32
      %mul3A_26 = arith.muli %mul3A_25, %rem3A_24 : i32
      %multiple_of3A = tpu.assume_multiple %mul3A_26, 2048 : i32
      %mul3A_27 = arith.constant 8 : i32
      %mul3A_28 = arith.muli %mul3A_27, %div3A_23 : i32
      %add3A_29 = arith.addi %mul3A_2, %mul3A_28 : i32
      %div3A_30 = arith.constant 200 : i32
      %div3A_31 = arith.divsi %add3A_29, %div3A_30 : i32
      %rem3A_32 = arith.constant 200 : i32
      %rem3A_33 = arith.remsi %add3A_29, %rem3A_32 : i32
      %multiple_of3A_34 = tpu.assume_multiple %rem3A_33, 8 : i32
      %rem3A_35 = arith.constant 4 : i32
      %rem3A_36 = arith.remsi %add3A_22, %rem3A_35 : i32
      %rem3A_37 = arith.constant 4 : i32
      %rem3A_38 = arith.remsi %add3A_22, %rem3A_37 : i32
      %dma_wait3A = arith.constant 0 : i32
      %dma_wait3A_39 = arith.constant 0 : i32
      %dma_wait3A_40 = tpu.memref_slice %arg6[%rem3A_36, %dma_wait3A, %dma_wait3A_39] : memref<4x8x2048xf32, #tpu.memory_space<vmem>> -> memref<1x8x2048xf32, #tpu.memory_space<vmem>>
      %dma_wait3A_41 = tpu.memref_squeeze %dma_wait3A_40 : memref<1x8x2048xf32, #tpu.memory_space<vmem>> -> memref<8x2048xf32, #tpu.memory_space<vmem>>
      %dma_wait3A_42 = tpu.memref_slice %arg4[%div3A_31, %multiple_of3A_34, %multiple_of3A] : memref<32x200x49152xf32, #tpu.memory_space<hbm>> -> memref<1x8x2048xf32, #tpu.memory_space<hbm>>
      %dma_wait3A_43 = tpu.memref_squeeze %dma_wait3A_42 : memref<1x8x2048xf32, #tpu.memory_space<hbm>> -> memref<8x2048xf32, #tpu.memory_space<hbm>>
      %dma_wait3A_44 = tpu.memref_slice %arg8[%rem3A_38] : memref<4x!tpu.dma_semaphore, #tpu.memory_space<semaphore_mem>> -> memref<1x!tpu.dma_semaphore, #tpu.memory_space<semaphore_mem>>
      %dma_wait3A_45 = tpu.memref_squeeze %dma_wait3A_44 : memref<1x!tpu.dma_semaphore, #tpu.memory_space<semaphore_mem>> -> memref<!tpu.dma_semaphore, #tpu.memory_space<semaphore_mem>>
      %dma_wait3A_46 = tpu.memref_slice %arg4[%div3A_31, %multiple_of3A_34, %multiple_of3A] : memref<32x200x49152xf32, #tpu.memory_space<hbm>> -> memref<1x8x2048xf32, #tpu.memory_space<hbm>>
      %dma_wait3A_47 = tpu.memref_squeeze %dma_wait3A_46 : memref<1x8x2048xf32, #tpu.memory_space<hbm>> -> memref<8x2048xf32, #tpu.memory_space<hbm>>
      %dma_wait3A_48 = arith.constant 0 : i32
      %dma_wait3A_49 = arith.constant 0 : i32
      %dma_wait3A_50 = tpu.memref_slice %arg6[%rem3A_36, %dma_wait3A_48, %dma_wait3A_49] : memref<4x8x2048xf32, #tpu.memory_space<vmem>> -> memref<1x8x2048xf32, #tpu.memory_space<vmem>>
      %dma_wait3A_51 = tpu.memref_squeeze %dma_wait3A_50 : memref<1x8x2048xf32, #tpu.memory_space<vmem>> -> memref<8x2048xf32, #tpu.memory_space<vmem>>
      tpu.wait_dma2 semaphore(%dma_wait3A_45 : memref<!tpu.dma_semaphore, #tpu.memory_space<semaphore_mem>>) src(%dma_wait3A_51 : memref<8x2048xf32, #tpu.memory_space<vmem>>) dst(%dma_wait3A_47 : memref<8x2048xf32, #tpu.memory_space<hbm>>)
    }
    %scan3A_19 = arith.constant 2 : i32
    return
  }
}

module attributes {stable_mosaic.version = 14 : i64} {
  func.func @_h_body(%arg0: memref<200x1024xf32, #tpu.memory_space<vmem>>, %arg1: memref<1024x512xf32, #tpu.memory_space<vmem>>, %arg2: memref<1x512xf32, #tpu.memory_space<vmem>>, %arg3: memref<200x512xf32, #tpu.memory_space<vmem>>) attributes {dimension_semantics = [], scalar_prefetch = 0 : i64, scratch_operands = 0 : i64, tpu.core_type = #tpu.core_type<tc>} {
    %get3A = arith.constant 0 : index
    %get3A_0 = arith.constant 0 : index
    %get3A_1 = vector.load %arg0[%get3A, %get3A_0] : memref<200x1024xf32, #tpu.memory_space<vmem>>, vector<200x1024xf32>
    %get3A_2 = arith.constant 0 : index
    %get3A_3 = arith.constant 0 : index
    %get3A_4 = vector.load %arg1[%get3A_2, %get3A_3] : memref<1024x512xf32, #tpu.memory_space<vmem>>, vector<1024x512xf32>
    %dot_general3A = arith.constant dense<0.000000e+00> : vector<200x512xf32>
    %dot_general3A_5 = tpu.matmul %get3A_1, %get3A_4, %dot_general3A {dimension_numbers = #tpu.dot_dimension_numbers<[1], [0], [0], [1], [0, 0, 1, 1], [], []>, transpose_lhs_hint = false} : vector<200x1024xf32>, vector<1024x512xf32>, vector<200x512xf32> -> vector<200x512xf32>
    %get3A_6 = arith.constant 0 : index
    %get3A_7 = arith.constant 0 : index
    %get3A_8 = vector.load %arg2[%get3A_6, %get3A_7] : memref<1x512xf32, #tpu.memory_space<vmem>>, vector<1x512xf32>
    %add3A = vector.broadcast %get3A_8 : vector<1x512xf32> to vector<200x512xf32>
    %add3A_9 = arith.addf %dot_general3A_5, %add3A : vector<200x512xf32>
    %tanh3A = math.tanh %add3A_9 : vector<200x512xf32>
    %swap3A = arith.constant 0 : index
    %swap3A_10 = arith.constant 0 : index
    %swap3A_11 = vector.load %arg3[%swap3A, %swap3A_10] : memref<200x512xf32, #tpu.memory_space<vmem>>, vector<200x512xf32>
    tpu.vector_store %arg3[%swap3A, %swap3A_10], %tanh3A {strides = array<i32>} : memref<200x512xf32, #tpu.memory_space<vmem>>, vector<200x512xf32>,
    return
  }
}

module attributes {stable_mosaic.version = 14 : i64} {
  func.func @_proj_body(%arg0: i32, %arg1: memref<200x512xf32, #tpu.memory_space<vmem>>, %arg2: memref<512x2048xf32, #tpu.memory_space<vmem>>, %arg3: memref<1x2048xf32, #tpu.memory_space<vmem>>, %arg4: memref<200x2048xf32, #tpu.memory_space<vmem>>) attributes {dimension_semantics = [#tpu.dimension_semantics<arbitrary>], iteration_bounds = array<i64: 24>, scalar_prefetch = 0 : i64, scratch_operands = 0 : i64, tpu.core_type = #tpu.core_type<tc>, window_params = [{pipeline_mode = #tpu.pipeline_mode<synchronous>, transform_indices = @transform_0, window_bounds = array<i64: 200, 512>}, {transform_indices = @transform_1, window_bounds = array<i64: 512, 2048>}, {transform_indices = @transform_2, window_bounds = array<i64: 1, 2048>}, {transform_indices = @transform_3, window_bounds = array<i64: 200, 2048>}]} {
    %get3A = arith.constant 0 : index
    %get3A_0 = arith.constant 0 : index
    %get3A_1 = vector.load %arg1[%get3A, %get3A_0] : memref<200x512xf32, #tpu.memory_space<vmem>>, vector<200x512xf32>
    %get3A_2 = arith.constant 0 : index
    %get3A_3 = arith.constant 0 : index
    %get3A_4 = vector.load %arg2[%get3A_2, %get3A_3] : memref<512x2048xf32, #tpu.memory_space<vmem>>, vector<512x2048xf32>
    %dot_general3A = arith.constant dense<0.000000e+00> : vector<200x2048xf32>
    %dot_general3A_5 = tpu.matmul %get3A_1, %get3A_4, %dot_general3A {dimension_numbers = #tpu.dot_dimension_numbers<[1], [0], [0], [1], [0, 0, 1, 1], [], []>, transpose_lhs_hint = false} : vector<200x512xf32>, vector<512x2048xf32>, vector<200x2048xf32> -> vector<200x2048xf32>
    %get3A_6 = arith.constant 0 : index
    %get3A_7 = arith.constant 0 : index
    %get3A_8 = vector.load %arg3[%get3A_6, %get3A_7] : memref<1x2048xf32, #tpu.memory_space<vmem>>, vector<1x2048xf32>
    %add3A = vector.broadcast %get3A_8 : vector<1x2048xf32> to vector<200x2048xf32>
    %add3A_9 = arith.addf %dot_general3A_5, %add3A : vector<200x2048xf32>
    %swap3A = arith.constant 0 : index
    %swap3A_10 = arith.constant 0 : index
    %swap3A_11 = vector.load %arg4[%swap3A, %swap3A_10] : memref<200x2048xf32, #tpu.memory_space<vmem>>, vector<200x2048xf32>
    tpu.vector_store %arg4[%swap3A, %swap3A_10], %add3A_9 {strides = array<i32>} : memref<200x2048xf32, #tpu.memory_space<vmem>>, vector<200x2048xf32>,
    return
  }
  func.func @transform_0(%arg0: i32) -> (i32, i32) {
    %c0_i32 = arith.constant 0 : i32
    %c0_i32_0 = arith.constant 0 : i32
    %c0_i32_1 = arith.constant 0 : i32
    return %c0_i32, %c0_i32_0 : i32, i32
  }
  func.func @transform_1(%arg0: i32) -> (i32, i32) {
    %c0_i32 = arith.constant 0 : i32
    %c0_i32_0 = arith.constant 0 : i32
    return %c0_i32, %arg0 : i32, i32
  }
  func.func @transform_2(%arg0: i32) -> (i32, i32) {
    %c0_i32 = arith.constant 0 : i32
    %c0_i32_0 = arith.constant 0 : i32
    return %c0_i32, %arg0 : i32, i32
  }
  func.func @transform_3(%arg0: i32) -> (i32, i32) {
    %c0_i32 = arith.constant 0 : i32
    %c0_i32_0 = arith.constant 0 : i32
    return %c0_i32, %arg0 : i32, i32
  }
}

</mosaic_0001>

<sc_bundles>
// kernel: kernel.5.cloned.1.call-start
scs
__scs_entry_jumppad:
0x0: {  	(pc) =	sbr.rel $0x88, $3  }
0x1: {  	(tag) =	ssettag $0x0;
	lr =	simm.s32 $0x1  }
0x2: {  	[smem:$0x3F9B] =	sst lr;
	_ =	strace $0xD0000000  }
0x3: {  	_ = 	snop  }
0x4: {  	_ = 	snop  }
0x5: {  	_ = 	snop  }
0x6: {  	_ = 	snop  }
0x7: {  	_ = 	snop  }
__scs_overlays_trampoline_lowered:
0x8: {  	[smem:$0x3FAA] =	sst s0  }
0x9: {  	[smem:$0x3FAB] =	sst s1  }
0xa: {  	[smem:$0x3FAC] =	sst s2  }
0xb: {  	[smem:$0x3FAD] =	sst s3  }
0xc: {  	[smem:$0x3FAE] =	sst s4  }
0xd: {  	[smem:$0x3FAF] =	sst s5  }
0xe: {  	[smem:$0x3FB0] =	sst s6  }
0xf: {  	[smem:$0x3FB1] =	sst s7  }
0x10: {  	[smem:$0x3FB2] =	sst s8  }
0x11: {  	[smem:$0x3FB3] =	sst s9;
	s0 =	simm.s32 @!p0 $0x0  }
0x12: {  	s1 =	sld [smem:$0x3F99];
	s0 =	simm.s32 @p0 $0x1  }
0x13: {  	[smem:$0x3FB4] =	sst s0;
	s0 =	simm.s32 @!p1 $0x0  }
0x14: {  	s2 =	sld [smem:$0x3F98];
	s0 =	simm.s32 @p1 $0x1  }
0x15: {  	[smem:$0x3FB5] =	sst s0;
	s0 =	simm.s32 @!p2 $0x0  }
0x16: {  	s3 =	sld [smem:$0x3FDB];
	s0 =	simm.s32 @p2 $0x1  }
0x17: {  	s4 =	simm.s32 $0x1BF5;
	[smem:$0x3FB7] =	sst s0  }
0x18: {  	s0 =	sld [smem:$0x3F9A];
	_ =	swait.ge [sflag:s4], $0x0  }
0x19: {  	s7 =	sld [smem:$0x3F9B]  }
0x1a: {  	s8 =	sadd.s32 $0xFFFFE003, lr  }
0x1b: {  	s9 =	sadd.s32 $0xFFFFFEF7, lr;
	s5 =	simm.s32 $0xFFFFFFFF;
	p2 =	slt.u32 s8, $0xFFFFF086  }
0x1c: {  	p1 =	slt.u32 s9, $0xF7A;
	s5 =	simm.s32 @!p2 $0x0  }
0x1d: {  	s5 =	simm.s32 @p1 $0x1;
	p0 =	seq.s32 s7, s2  }
0x1e: {  	s7 =	smul.u32 @!p0 $0xF7A, s2;
	p2 =	seq.s32 @!p0 s5, $0x0  }
0x1f: {  	s9 =	smul.u32 $0xF7A, s1;
	s8 =	simm.s32 @!p0 $0x1BF5;
	p2 =	por !p2, p0  }
0x20: {  	[sflag:s8] =	ssyncset.s32 @!p0 $0xFFFFF086;
	s6 =	sadd.s32 @!p0 s3, s7;
	s7 =	simm.s32 @!p0 $0x108  }
0x21: {  	s3 =	sadd.s32 s3, s9;
	s6 =	sadd.s32 @!p0 $0x88, s6;
	s7 =	simm.s32 @p2 $0x1082  }
0x22: {  	[simem:s7], [sflag:s8] =	dma.local @!p0 [hbm:s6], $0xF7A  }
0x23: {  	s9 =	sor.u32 $0xD0000000, s2;
	s6 =	simm.s32 $0x108;
	_ =	swait.ge @!p0 [sflag:s8], $0x0  }
0x24: {  	s3 =	sadd.s32 $0x88, s3;
	s6 =	simm.s32 @!p1 $0x1082;
	[sflag:s4] =	ssyncset.s32 $0xFFFFF086  }
0x25: {  	[simem:s6], [sflag:s4] =	dma.local [hbm:s3], $0xF7A  }
0x26: {  	[smem:$0x3F9B] =	sst s1;
	(tag) =	ssettag s2;
	_ =	strace s9  }
0x27: {  	s1 =	sld [smem:$0x3FAB]  }
0x28: {  	s2 =	sld [smem:$0x3FAC]  }
0x29: {  	s4 =	sld [smem:$0x3FAE]  }
0x2a: {  	p0 =	seq.s32 s5, $0x0;
	s5 =	sld [smem:$0x3FAF]  }
0x2b: {  	s6 =	sld [smem:$0x3FB0]  }
0x2c: {  	s7 =	sld [smem:$0x3FB1]  }
0x2d: {  	s3 =	simm.s32 $0x108;
	s8 =	sld [smem:$0x3FB2]  }
0x2e: {  	s3 =	simm.s32 @!p0 $0x1082;
	s9 =	sld [smem:$0x3FB3]  }
0x2f: {  	lr =	sadd.s32 s0, s3;
	s0 =	sld [smem:$0x3FAA]  }
0x30: {  	s3 =	sld [smem:$0x3FAD]  }
0x31: {  	[smem:$0x3FB6] =	sst s10  }
0x32: {  	s10 =	sld [smem:$0x3FB4];
	_ =	sdelay $0x3  }
0x33: {  	p0 =	seq.s32 s10, $0x1;
	s10 =	sld [smem:$0x3FB6];
	_ =	sdelay $0x3  }
0x34: {  	[smem:$0x3FB6] =	sst s10  }
0x35: {  	s10 =	sld [smem:$0x3FB5];
	_ =	sdelay $0x3  }
0x36: {  	p1 =	seq.s32 s10, $0x1;
	s10 =	sld [smem:$0x3FB6];
	_ =	sdelay $0x3  }
0x37: {  	[smem:$0x3FB6] =	sst s10  }
0x38: {  	s10 =	sld [smem:$0x3FB7]  }
0x39: {  	_ = 	snop;
	(pc) =	sbr.ind lr, $3  }
0x3a: {  	_ = 	snop  }
0x3b: {  	_ = 	snop  }
0x3c: {  	p2 =	seq.s32 s10, $0x1;
	s10 =	sld [smem:$0x3FB6]  }
0x3d: {  	_ =	shalt  }
0x3e: {  	_ =	shalt  }
0x3f: {  	_ =	shalt  }
0x40: {  	_ =	shalt  }
0x41: {  	_ =	shalt  }
0x42: {  	_ =	shalt  }
0x43: {  	_ =	shalt  }
0x44: {  	_ =	shalt  }
0x45: {  	_ =	shalt  }
0x46: {  	_ =	shalt  }
0x47: {  	_ =	shalt  }
0x48: {  	_ =	shalt  }
0x49: {  	_ =	shalt  }
0x4a: {  	_ =	shalt  }
0x4b: {  	_ =	shalt  }
0x4c: {  	_ =	shalt  }
0x4d: {  	_ =	shalt  }
0x4e: {  	_ =	shalt  }
0x4f: {  	_ =	shalt  }
0x50: {  	_ =	shalt  }
0x51: {  	_ =	shalt  }
0x52: {  	_ =	shalt  }
0x53: {  	_ =	shalt  }
0x54: {  	_ =	shalt  }
0x55: {  	_ =	shalt  }
0x56: {  	_ =	shalt  }
0x57: {  	_ =	shalt  }
0x58: {  	_ =	shalt  }
0x59: {  	_ =	shalt  }
0x5a: {  	_ =	shalt  }
0x5b: {  	_ =	shalt  }
0x5c: {  	_ =	shalt  }
0x5d: {  	_ =	shalt  }
0x5e: {  	_ =	shalt  }
0x5f: {  	_ =	shalt  }
0x60: {  	_ =	shalt  }
0x61: {  	_ =	shalt  }
0x62: {  	_ =	shalt  }
0x63: {  	_ =	shalt  }
0x64: {  	_ =	shalt  }
0x65: {  	_ =	shalt  }
0x66: {  	_ =	shalt  }
0x67: {  	_ =	shalt  }
0x68: {  	_ =	shalt  }
0x69: {  	_ =	shalt  }
0x6a: {  	_ =	shalt  }
0x6b: {  	_ =	shalt  }
0x6c: {  	_ =	shalt  }
0x6d: {  	_ =	shalt  }
0x6e: {  	_ =	shalt  }
0x6f: {  	_ =	shalt  }
0x70: {  	_ =	shalt  }
0x71: {  	_ =	shalt  }
0x72: {  	_ =	shalt  }
0x73: {  	_ =	shalt  }
0x74: {  	_ =	shalt  }
0x75: {  	_ =	shalt  }
0x76: {  	_ =	shalt  }
0x77: {  	_ =	shalt  }
0x78: {  	_ =	shalt  }
0x79: {  	_ =	shalt  }
0x7a: {  	_ =	shalt  }
0x7b: {  	_ =	shalt  }
0x7c: {  	_ =	shalt  }
0x7d: {  	_ =	shalt  }
0x7e: {  	_ =	shalt  }
0x7f: {  	_ =	shalt  }
0x80: {  	_ =	shalt  }
0x81: {  	_ =	shalt  }
0x82: {  	_ =	shalt  }
0x83: {  	_ =	shalt  }
0x84: {  	_ =	shalt  }
0x85: {  	_ =	shalt  }
0x86: {  	_ =	shalt  }
0x87: {  	_ =	shalt  }
.Lfunc_end0:
.L_simem_size_0:
called_computation_lowered:
.L_overlay_start_0:
0x88: {  	s2 =	sld [smem:$0x3FD9]  }
0x89: {  	s3 =	sld [smem:$0x3FFE];
	_ =	sdelay $0x1  }
0x8a: {  	s1 =	srdreg.scid  }
0x8b: {  	s0 =	sand.u32 $0x1, s1  }
0x8c: {  	s17 =	sshll.u32 s0, $0xA;
	s2 =	sadd.s32 s3, s2  }
0x8d: {  	s2 =	sadd.s32 s2, s17  }
0x8e: {  	[smem:$0x3FC2] =	sst s2  }
0x8f: {  	_ = 	snop  }
0x90: {  	s2 =	sld [smem:$0x3FD0];
	(tm) =	ssettm $0x1  }
0x91: {  	s18 =	sld [smem:$0x3FFB];
	_ =	sdelay $0x3  }
0x92: {  	_ =	strace s18  }
0x93: {  	s3 =	sld [smem:$0x3FFC];
	_ =	sdelay $0x3  }
0x94: {  	_ =	strace s3  }
0x95: {  	s3 =	sld [smem:$0x3FFD];
	_ =	sdelay $0x3  }
0x96: {  	_ =	strace s3  }
0x97: {  	_ =	strace $0x8FFFFFFF  }
0x98: {  	s19 =	sld [smem:$0x3FDB];
	_ =	sdelay $0x1  }
0x99: {  	s4 =	simm.s32 $_scs_section_size  }
0x9a: {  	s5 =	simm.s32 $_size__tile_overlayer_lowered;
	s6 =	simm.s32 $_tile_overlayer_lowered  }
0x9b: {  	s22 =	simm.s32 $0x1BFF;
	s21 =	sshll.u32 s6, $0x1;
	s3 =	sadd.s32 s4, s19  }
0x9c: {  	s7 =	simm.s32 $0x0;
	s20 =	sshll.u32 s5, $0x1;
	s5 =	sadd.s32 s21, s3  }
0x9d: {  	[timem:s7], [sflag:s22] =	dma.local [hbm:s5], s20  }
0x9e: {  	_ =	swait.ge [sflag:s22], s20  }
0x9f: {  	s4 =	ssub.s32 $0x0, s20;
	[sflag:s22] =	ssyncset.done $0x0  }
0xa0: {  	[sflag:s22] =	ssyncadd.s32 s4;
	_ =	sdelay $0x1  }
0xa1: {  	s23 =	simm.s32 $0x1B8B  }
0xa2: {  	_ =	swait.ge [sflag:s23], $0x1  }
0xa3: {  	[sflag:s23] =	ssyncset.done $0x0  }
0xa4: {  	s25 =	simm.s32 $0x1B8E;
	s24 =	sld [smem:$0x3FFE];
	[sflag:s23] =	ssyncadd.s32 $0xFFFFFFFF  }
0xa5: {  	s26 =	simm.s32 $execute0_lowered;
	[smem:$0x3FD2] =	sst s25  }
0xa6: {  	s5 =	sshll.u32 s26, $0x1;
	_ =	strace $0x80000046;
	[dreg:$0x1] =	wrdreg $0xFFFFFFFF  }
0xa7: {  	s28 =	simm.s32 $_size_execute0_lowered;
	s3 =	sadd.s32 s3, s5;
	[dreg:$0x0] =	wrdreg $0x0  }
0xa8: {  	s5 =	sshll.u32 s28, $0x1;
	[dreg:$0x2] =	wrdreg s3  }
0xa9: {  	[dreg:$0x3] =	wrdreg s5  }
0xaa: {  	[dreg:$0x4] =	wrdreg $0xC0  }
0xab: {  	_ =	task [dreg:s7], $0x5FFFF  }
0xac: {  	[dreg:$0x1] =	wrdreg $0xFFFFFFFF  }
0xad: {  	[dreg:$0x0] =	wrdreg $0x60  }
0xae: {  	[dreg:$0x2] =	wrdreg s24  }
0xaf: {  	[dreg:$0x3] =	wrdreg s2  }
0xb0: {  	[dreg:$0x4] =	wrdreg $0x9  }
0xb1: {  	_ =	task.clear_ibuf [dreg:s7], $0x5FFFF;
	_ =	strace $0x90000046  }
0xb2: {  	s29 =	simm.s32 $0x9;
	_ =	strace $0x80000048  }
0xb3: {  	_ =	swait.ge [sflag:s29], $0x1  }
0xb4: {  	[sflag:s29] =	ssyncadd.s32 $0xFFFFFFFF  }
0xb5: {  	_ =	strace $0x90000048  }
0xb6: {  	_ =	sfence  }
0xb7: {  	s30 =	sld [smem:$0x0];
	_ =	sdelay $0x2  }
0xb8: {  	s31 =	sshll.u32 s1, $0xD;
	s1 =	sshrl.u32 s1, $0x2  }
0xb9: {  	s3 =	sand.u32 $0x4000, s31;
	s1 =	sadd.s32 s1, s30  }
0xba: {  	s0 =	sor.u32 s3, s0;
	s1 =	sshll.u32 s1, $0x11  }
0xbb: {  	s0 =	sor.u32 s1, s0  }
0xbc: {  	s0 =	sadd.s32 $0x8F2B, s0  }
0xbd: {  	[sflag:s0] =	ssyncadd.remote.s32 $0x1  }
0xbe: {  	_ =	sfence.sel $0xFFFF  }
0xbf: {  	[dreg:$0x0] =	wrdreg $0xFFFFFFFF;
	(pc) =	sbr.abs _section_cstart, $3  }
0xc0: {  	[dreg:$0x1] =	wrdreg $0xFFFFFFFF  }
0xc1: {  	_ =	task.clear_ibuf [dreg:s7], $0x2FFFF;
	_ =	strace $0x9FFFFFFF  }
0xc2: {  	(tm) =	ssettm $0x7FFFFFFF  }
0xc3: {  	_ =	shalt  }
tec
execute0_lowered:
.L_overlay_start_1:
0x0: {  	(tag) =	ssettag $0x1  }
0x1: {  	s4 =	rddreg [dreg:$0x0];
	s1 =	srdreg.scid  }
0x2: {  	s0 =	stileid.u32;
	s2 =	rddreg [dreg:$0x1]  }
0x3: {  	s3 =	simm.s32 $0x0;
	s9 =	simm.s32 $0x7;
	s10 =	simm.s32 $0x8  }
0x4: {  	s11 =	simm.s32 $0x0;
	s5 =	sand.u32 $0x1, s1;
	s1 =	rddreg [dreg:$0x2]  }
.Ltmp0:
0x5: {  	s6 =	sshll.u32 s0, $0x1;
	[smem:$0x7FF] =	sst s3;
	(pc) =	sbr.rel .LBB2_1-.Ltmp0, $4  }
0x6: {  	s6 =	sor.u32 s5, s6;
	s5 =	ssub.s32 $0x2, s5;
	_ =	strace $0x80000047  }
0x7: {  	v0 =	vlaneseq.u32;
	s7 =	sshll.u32 s6, $0x9;
	s8 =	sshrl.u32 s5, $0x1;
	s6 =	smul.u32 $0xC8, s6  }
0x8: {  	v1 =	vshrl.u32 v0, $0x3;
	s7 =	sadd.s32 s7, s4;
	s4 =	sadd.s32 $0x4C00, s4;
	s8 =	ssub.s32 s5, s8  }
0x9: {  	vm0 =	vmmov $0xffff;
	v0 =	vand.u32 $0x7, v0;
	v1 =	vmul.u32 $0x8, v1;
	s5 =	sadd.s32 $0xC00, s7;
	s7 =	smax.u32 s8, $0x1;
	s8 =	simm.s32 $0x9  }
.LBB2_6:
0xa: {  	s11 =	sadd.s32 $0x1, s11  }
0xb: {  	_ =	swait.ge [sflag:s9], $0x4000;
	p0 =	sne.s32 s11, s7  }
.Ltmp1:
0xc: {  	[sflag:s9] =	ssyncset.done $0x0;
	(pc) =	sbr.rel @!p0 .LBB2_7-.Ltmp1, $4  }
0xd: {  	[sflag:s9] =	ssyncadd.s32 $0xFFFFC000  }
0xe: {  	_ =	swait.ge [sflag:s10], $0x4000  }
0xf: {  	[sflag:s10] =	ssyncset.done $0x0  }
0x10: {  	[sflag:s10] =	ssyncadd.s32 $0xFFFFC000  }
.LBB2_1:
0x11: {  	[tilespmem:s3], [sflag:$0x9] =	stream.linear.gather [hbm4b:s5+s3], $0xC80, $0x38;
	[tilespmem:$0x11000] =	vst v63  }
0x12: {  	_ =	swait.ge [sflag:s8], $0xC80  }
0x13: {  	[sflag:s8] =	ssyncset.done $0x0  }
0x14: {  	p0 =	por $0x1, $0x1;
	s13 =	simm.s32 $0x0;
	[sflag:s8] =	ssyncadd.s32 $0xFFFFF380  }
.LBB2_2:
0x15: {  	v2 =	vld.msk [tilespmem:$0x0], $0xff;
	_ =	sdelay $0x4  }
0x16: {  	v3 =	vshrl.u32 v2, $0x3  }
0x17: {  	v3 =	vmul.u32 $0xC00, v3  }
0x18: {  	v2 =	vand.u32 $0x7, v2  }
0x19: {  	v2 =	vor.u32 v2, v3  }
0x1a: {  	v2 =	vperm.xlane v2, v0;
	_ =	sdelay $0x1  }
0x1b: {  	v2 =	vadd.s32 v1, v2;
	_ =	sdelay $0x1  }
0x1c: {  	s12 =	sshll.u32 s13, $0xE  }
0x1d: {  	s14 =	sadd.s32 $0x1, s13;
	s17 =	sshll.u32 s13, $0xB;
	s15 =	sand.u32 $0x3FFFC000, s12  }
0x1e: {  	s16 =	sadd.s32 s4, s17;
	s12 =	simm.s32 $0x0;
	s18 =	sor.u32 $0x1000, s15  }
0x1f: {  	[tilespmem:s18], [sflag:s14] =	stream.indirect_vreg.gather [hbm4b:s16+s12], $0x80, v2, vm0, $0xb8;
	[tilespmem:$0x11000] =	vst v63  }
0x20: {  	s19 =	sadd.s32 $0x100, s16;
	s17 =	sor.u32 $0x1800, s15  }
0x21: {  	[tilespmem:s17], [sflag:s14] =	stream.indirect_vreg.gather [hbm4b:s19+s12], $0x80, v2, vm0, $0xb8;
	[tilespmem:$0x11000] =	vst v63  }
0x22: {  	s20 =	sadd.s32 $0x200, s16;
	s21 =	sor.u32 $0x2000, s15  }
0x23: {  	[tilespmem:s21], [sflag:s14] =	stream.indirect_vreg.gather [hbm4b:s20+s12], $0x80, v2, vm0, $0xb8;
	[tilespmem:$0x11000] =	vst v63  }
0x24: {  	s22 =	sadd.s32 $0x300, s16;
	s23 =	sor.u32 $0x2800, s15  }
0x25: {  	[tilespmem:s23], [sflag:s14] =	stream.indirect_vreg.gather [hbm4b:s22+s12], $0x80, v2, vm0, $0xb8;
	[tilespmem:$0x11000] =	vst v63  }
0x26: {  	s24 =	sadd.s32 $0x400, s16;
	s25 =	sor.u32 $0x3000, s15  }
0x27: {  	[tilespmem:s25], [sflag:s14] =	stream.indirect_vreg.gather [hbm4b:s24+s12], $0x80, v2, vm0, $0xb8;
	[tilespmem:$0x11000] =	vst v63  }
0x28: {  	p1 =	por p0, p0;
	s26 =	sadd.s32 $0x500, s16;
	s28 =	sor.u32 $0x3800, s15  }
0x29: {  	[tilespmem:s28], [sflag:s14] =	stream.indirect_vreg.gather [hbm4b:s26+s12], $0x80, v2, vm0, $0xb8;
	[tilespmem:$0x11000] =	vst v63  }
.Ltmp2:
0x2a: {  	_ = 	snop;
	(pc) =	sbr.rel @p1 .LBB2_2-.Ltmp2, $4  }
0x2b: {  	s13 =	simm.s32 $0x1;
	s29 =	sadd.s32 $0x600, s16;
	s30 =	sadd.s32 $0x4000, s15  }
0x2c: {  	[tilespmem:s30], [sflag:s14] =	stream.indirect_vreg.gather [hbm4b:s29+s12], $0x80, v2, vm0, $0xb8;
	[tilespmem:$0x11000] =	vst v63  }
0x2d: {  	p0 =	por $0x0, $0x0;
	s31 =	sadd.s32 $0x700, s16;
	s15 =	sadd.s32 $0x4800, s15  }
0x2e: {  	[tilespmem:s15], [sflag:s14] =	stream.indirect_vreg.gather [hbm4b:s31+s12], $0x80, v2, vm0, $0xb8;
	[tilespmem:$0x11000] =	vst v63  }
.Ltmp3:
0x2f: {  	_ = 	snop;
	(pc) =	sbr.rel .LBB2_3-.Ltmp3, $1  }
0x30: {  	_ =	sdelay $0x3  }
.LBB2_5:
0x31: {  	s14 =	smul.u32 $0xAAAB, s12;
	_ =	sdelay $0x1  }
0x32: {  	s14 =	sshrl.u32 s14, $0x14  }
0x33: {  	s15 =	sshll.u32 s14, $0x3  }
0x34: {  	s15 =	sadd.s32 s15, s6  }
0x35: {  	s16 =	smulhi.u32 $0x147AE15, s15  }
0x36: {  	s14 =	smul.u32 $0x18, s14  }
0x37: {  	s17 =	smul.u32 $0xC8, s16  }
0x38: {  	s29 =	sadd.s32 $0x1, s13  }
0x39: {  	s14 =	ssub.s32 s12, s14;
	s12 =	sadd.s32 $0x1, s12;
	s15 =	ssub.s32 s15, s17  }
0x3a: {  	s14 =	sand.u32 $0xFFFF, s14;
	s16 =	smul.u32 $0x960000, s16;
	s15 =	sshrl.u32 s15, $0x3  }
0x3b: {  	p0 =	sne.s32 s12, $0x258;
	s14 =	sshll.u32 s14, $0xE;
	s15 =	smul.u32 $0x60000, s15  }
.Ltmp4:
0x3c: {  	s30 =	sshll.u32 s13, $0xE;
	s14 =	sadd.s32 s14, s16;
	(pc) =	sbr.rel @!p0 .LBB2_6-.Ltmp4, $4  }
0x3d: {  	s31 =	sadd.s32 $0x5, s13;
	_ =	swait.ge [sflag:s29], $0x4000;
	s14 =	sadd.s32 s15, s14  }
0x3e: {  	[sflag:s29] =	ssyncset.done $0x0;
	s15 =	sand.u32 $0x3FFFC000, s30;
	s14 =	sshrl.u32 s14, $0x3  }
0x3f: {  	[sflag:s29] =	ssyncadd.s32 $0xFFFFC000;
	s15 =	sor.u32 $0x1000, s15;
	s14 =	sadd.s32 s2, s14  }
0x40: {  	[hbm4b:s14+s3] =	stream.linear.scatter [tilespmem:s15], [sflag:s31], $0x4000, $0x38;
	[tilespmem:$0x11000] =	vst v63  }
.LBB2_3:
0x41: {  	p0 =	slt.u32 s12, $0x2  }
0x42: {  	p1 =	sgt.u32 @!p0 s12, $0x255  }
0x43: {  	s13 =	sand.u32 @!p0 $0x3, s12;
	p1 =	por p0, !p1  }
.Ltmp5:
0x44: {  	s14 =	sxor.u32 @!p0 $0x2, s13;
	(pc) =	sbr.rel @!p1 .LBB2_5-.Ltmp5, $4  }
0x45: {  	s14 =	sadd.s32 @!p0 $0x5, s14  }
0x46: {  	_ =	swait.ge @!p0 [sflag:s14], $0x4000  }
0x47: {  	[sflag:s14] =	ssyncset.done @!p0 $0x0  }
0x48: {  	[sflag:s14] =	ssyncadd.s32 @!p0 $0xFFFFC000  }
0x49: {  	s14 =	sadd.s32 $0x2, s12  }
0x4a: {  	s15 =	smul.u32 $0xAAAB, s14;
	_ =	sdelay $0x1  }
0x4b: {  	s16 =	sshrl.u32 s15, $0xD  }
0x4c: {  	s16 =	sand.u32 $0x3F80, s16  }
0x4d: {  	v2 =	vld.msk [tilespmem:s16+$0x0], $0xff;
	_ =	sdelay $0x4  }
0x4e: {  	v3 =	vshrl.u32 v2, $0x3  }
0x4f: {  	v3 =	vmul.u32 $0xC00, v3  }
0x50: {  	v2 =	vand.u32 $0x7, v2  }
0x51: {  	v2 =	vor.u32 v2, v3  }
0x52: {  	v2 =	vperm.xlane v2, v0  }
0x53: {  	s15 =	sshrl.u32 s15, $0x11  }
0x54: {  	s15 =	sand.u32 $0x18, s15;
	v2 =	vadd.s32 v1, v2  }
0x55: {  	s15 =	sadd.s32 s15, s14  }
0x56: {  	s14 =	sand.u32 $0x3, s14;
	s15 =	sshll.u32 s15, $0xB  }
0x57: {  	s19 =	sshll.u32 s14, $0xE;
	s15 =	sand.u32 $0xF800, s15  }
0x58: {  	s14 =	sadd.s32 $0x1, s14;
	s17 =	sor.u32 $0x1000, s19;
	s15 =	sadd.s32 s15, s4  }
0x59: {  	[tilespmem:s17], [sflag:s14] =	stream.indirect_vreg.gather [hbm4b:s15+s3], $0x80, v2, vm0, $0xb8;
	[tilespmem:$0x11000] =	vst v63  }
0x5a: {  	s18 =	sor.u32 $0x1800, s19;
	s20 =	sadd.s32 $0x100, s15  }
0x5b: {  	[tilespmem:s18], [sflag:s14] =	stream.indirect_vreg.gather [hbm4b:s20+s3], $0x80, v2, vm0, $0xb8;
	[tilespmem:$0x11000] =	vst v63  }
0x5c: {  	s22 =	sor.u32 $0x2000, s19;
	s21 =	sadd.s32 $0x200, s15  }
0x5d: {  	[tilespmem:s22], [sflag:s14] =	stream.indirect_vreg.gather [hbm4b:s21+s3], $0x80, v2, vm0, $0xb8;
	[tilespmem:$0x11000] =	vst v63  }
0x5e: {  	s24 =	sor.u32 $0x2800, s19;
	s23 =	sadd.s32 $0x300, s15  }
0x5f: {  	[tilespmem:s24], [sflag:s14] =	stream.indirect_vreg.gather [hbm4b:s23+s3], $0x80, v2, vm0, $0xb8;
	[tilespmem:$0x11000] =	vst v63  }
0x60: {  	s26 =	sor.u32 $0x3000, s19;
	s25 =	sadd.s32 $0x400, s15  }
0x61: {  	[tilespmem:s26], [sflag:s14] =	stream.indirect_vreg.gather [hbm4b:s25+s3], $0x80, v2, vm0, $0xb8;
	[tilespmem:$0x11000] =	vst v63  }
0x62: {  	s29 =	sor.u32 $0x3800, s19;
	s28 =	sadd.s32 $0x500, s15  }
0x63: {  	[tilespmem:s29], [sflag:s14] =	stream.indirect_vreg.gather [hbm4b:s28+s3], $0x80, v2, vm0, $0xb8;
	[tilespmem:$0x11000] =	vst v63  }
.Ltmp6:
0x64: {  	_ = 	snop;
	(pc) =	sbr.rel .LBB2_5-.Ltmp6, $4  }
0x65: {  	s31 =	sadd.s32 $0x4000, s19;
	s30 =	sadd.s32 $0x600, s15  }
0x66: {  	[tilespmem:s31], [sflag:s14] =	stream.indirect_vreg.gather [hbm4b:s30+s3], $0x80, v2, vm0, $0xb8;
	[tilespmem:$0x11000] =	vst v63  }
0x67: {  	s13 =	smov.u32 @p0 s12;
	s16 =	sadd.s32 $0x4800, s19;
	s15 =	sadd.s32 $0x700, s15  }
0x68: {  	[tilespmem:s16], [sflag:s14] =	stream.indirect_vreg.gather [hbm4b:s15+s3], $0x80, v2, vm0, $0xb8;
	[tilespmem:$0x11000] =	vst v63  }
.LBB2_7:
0x69: {  	_ =	sfence.sel $0x180000  }
0x6a: {  	[bflag:$0x0] =	sbarrier.arrive $0xFFFF  }
0x6b: {  	p0 =	sne.s32 s0, $0x0;
	_ =	strace $0x90000047  }
0x6c: {  	s0 =	sadd.s32 @!p0 $0x100000, s1;
	[bflag:$0x2] =	sbarrier.arrive $0xFFFF  }
0x6d: {  	[sflag:s0] =	ssyncadd.tile.s32 @!p0 $0x1;
	_ =	shalt  }
.Lfunc_end2:
_tile_overlayer_lowered:
.L_overlay_start_2:
0x6e: {  	(tag) =	ssettag $0x2  }
0x6f: {  	s0 =	rddreg [dreg:$0x0];
	s2 =	stileid.u32  }
0x70: {  	s1 =	rddreg [dreg:$0x1];
	p0 =	sne.s32 s2, $0x0  }
0x71: {  	s3 =	rddreg [dreg:$0x2];
	[bflag:$0x3] =	sbarrier.arrive $0xFFFF;
	s2 =	simm.s32 @!p0 $0x1C09  }
0x72: {  	[timem:s3], [sflag:s2] =	dma.local @!p0 [hbm:s0], s1  }
0x73: {  	s0 =	simm.s32 @!p0 $0x9  }
0x74: {  	_ =	swait.ge @!p0 [sflag:s0], s1  }
0x75: {  	s1 =	ssub.s32 @!p0 $0x0, s1;
	[sflag:s0] =	ssyncset.done @!p0 $0x0  }
0x76: {  	[sflag:s0] =	ssyncadd.s32 @!p0 s1  }
0x77: {  	[bflag:$0x3] =	sbarrier.arrive $0xFFFF  }
0x78: {  	_ =	shalt  }

</sc_bundles>
